<compile_context>
chip_gen: v7x
topology: tpu7x:2x2x1
jax: 0.10.2.dev20260603
libtpu: 0.0.44.dev20260713+nightly
codegen_flags: <defaults>
</compile_context>

<pallas_src>
import functools

import jax
import jax.numpy as jnp
from jax import lax
from jax.experimental import pallas as pl
from jax.experimental.pallas import tpu as pltpu
from jax.experimental.pallas import tpu_sc as plsc

B, S, E = 1024, 200, 128
V, K = 100000, 10
BV = 4096
NBV = 25
VPAD = NBV * BV
SH1 = BV.bit_length() - 1
SH2 = SH1 - 1
N = B * S * K

NC, NS = 2, 16
NW = NC * NS
PER_W = N // NW
CHUNK = 16000
NCHUNK = PER_W // CHUNK


def _matmul_body(tab_ref, ctx_ref, out_ref):
    s = lax.dot_general(
        tab_ref[...].astype(jnp.bfloat16), ctx_ref[...].astype(jnp.bfloat16),
        dimension_numbers=(((1,), (1,)), ((), ())),
        preferred_element_type=jnp.float32)
    sb = s.astype(jnp.bfloat16)
    lo = lax.bitcast_convert_type(sb[:BV // 2, :], jnp.int16)
    hi = lax.bitcast_convert_type(sb[BV // 2:, :], jnp.int16)
    w = (hi.astype(jnp.int32) << 16) | (lo.astype(jnp.int32) & 0xFFFF)
    out_ref[...] = w.reshape(BV // 2 * B)


def _scores(context_tensor, emb_table):
    return pl.pallas_call(
        _matmul_body,
        grid=(NBV,),
        in_specs=[
            pl.BlockSpec((BV, E), lambda i: (i, 0)),
            pl.BlockSpec((B, E), lambda i: (0, 0)),
        ],
        out_specs=pl.BlockSpec((BV // 2 * B,), lambda i: (i,)),
        out_shape=jax.ShapeDtypeStruct((VPAD // 2 * B,), jnp.int32),
    )(emb_table, context_tensor)


_sc_mesh = plsc.VectorSubcoreMesh(core_axis_name="c", subcore_axis_name="s")


@functools.partial(
    pl.kernel,
    mesh=_sc_mesh,
    out_type=jax.ShapeDtypeStruct((N,), jnp.int32),
    scratch_types=[
        pltpu.VMEM((CHUNK,), jnp.int32),
        pltpu.VMEM((CHUNK,), jnp.int32),
        pltpu.VMEM((CHUNK,), jnp.int32),
        pltpu.VMEM((CHUNK,), jnp.int32),
        pltpu.SemaphoreType.DMA,
        pltpu.SemaphoreType.DMA,
        pltpu.SemaphoreType.DMA,
        pltpu.SemaphoreType.DMA,
        pltpu.SemaphoreType.DMA,
        pltpu.SemaphoreType.DMA,
    ],
)
def _sc_gather(scores_hbm, idx_hbm, out_hbm,
               i0, i1, v0, v1, si0, si1, sg0, sg1, so0, so1):
    idxb, valb = [i0, i1], [v0, v1]
    semi, semg, semo = [si0, si1], [sg0, sg1], [so0, so1]
    wid = lax.axis_index("s") * NC + lax.axis_index("c")
    base = wid * PER_W

    def start_idx(j):
        return pltpu.async_copy(
            idx_hbm.at[pl.ds(base + j * CHUNK, CHUNK)], idxb[j % 2],
            semi[j % 2])

    def start_gather(j):
        return pltpu.async_copy(scores_hbm.at[idxb[j % 2]], valb[j % 2],
                                semg[j % 2])

    def start_out(j):
        return pltpu.async_copy(
            valb[j % 2], out_hbm.at[pl.ds(base + j * CHUNK, CHUNK)],
            semo[j % 2])

    outs = [None, None]
    start_idx(0).wait()
    g = start_gather(0)
    for j in range(NCHUNK):
        if j + 1 < NCHUNK:
            start_idx(j + 1).wait()
            if j >= 1:
                outs[(j + 1) % 2].wait()
            g_next = start_gather(j + 1)
        g.wait()
        outs[j % 2] = start_out(j)
        if j + 1 < NCHUNK:
            g = g_next
    outs[(NCHUNK - 1) % 2].wait()
    outs[(NCHUNK - 2) % 2].wait()


BB = 64


def _pos_body(tgt_ref, ctx_ref, out_ref):
    i = pl.program_id(0)
    ctx = ctx_ref[...]
    x = tgt_ref[...] * ctx[:, None, :]
    pos = (jnp.minimum(x, 0.0) - jnp.log1p(jnp.exp(-jnp.abs(x)))).sum()

    @pl.when(i == 0)
    def _():
        out_ref[0, 0] = 0.0

    out_ref[0, 0] += -pos


def _pos_reduce(target_embs, context_tensor):
    out = pl.pallas_call(
        _pos_body,
        grid=(B // BB,),
        in_specs=[
            pl.BlockSpec((BB, S, E), lambda i: (i, 0, 0)),
            pl.BlockSpec((BB, E), lambda i: (i, 0)),
        ],
        out_specs=pl.BlockSpec(memory_space=pltpu.SMEM),
        out_shape=jax.ShapeDtypeStruct((1, 1), jnp.float32),
    )(target_embs, context_tensor)
    return out[0, 0]


NG = 4
GB = N // NG


def _neg_body(g_ref, h_ref, out_ref):
    i = pl.program_id(0)
    w = g_ref[...].reshape(GB // 1024, 1024)
    h = h_ref[...].reshape(GB // 1024, 1024)
    bits = jnp.where(h == 1, w & jnp.int32(-65536), w << 16)
    vals = lax.bitcast_convert_type(bits, jnp.float32)
    neg = (jnp.minimum(-vals, 0.0)
           - jnp.log1p(jnp.exp(-jnp.abs(vals)))).sum()

    @pl.when(i == 0)
    def _():
        out_ref[0, 0] = 0.0

    out_ref[0, 0] += -neg


def _neg_reduce(gathered, halves):
    out = pl.pallas_call(
        _neg_body,
        grid=(NG,),
        in_specs=[pl.BlockSpec((GB,), lambda i: (i,)),
                  pl.BlockSpec((GB,), lambda i: (i,))],
        out_specs=pl.BlockSpec(memory_space=pltpu.SMEM),
        out_shape=jax.ShapeDtypeStruct((1, 1), jnp.float32),
    )(gathered, halves)
    return out[0, 0]


def kernel(target_embs, context_tensor, sample_ids, emb_table):
    scores = _scores(context_tensor, emb_table)
    ids = sample_ids.astype(jnp.int32).transpose(2, 1, 0).reshape(N)
    b_idx = jnp.arange(N, dtype=jnp.int32) & (B - 1)
    flat_idx = ((ids >> SH1) * (BV // 2 * B) + (ids & (BV // 2 - 1)) * B
                + b_idx)
    halves = (ids >> SH2) & 1
    gathered = _sc_gather(scores, flat_idx)
    return _pos_reduce(target_embs, context_tensor) + _neg_reduce(gathered,
                                                                  halves)

# --- scband reference (transcript-rebuilt; emitter-appended) ---
"""Pipeline reference for scband-negative-sampling-66159676228084 (READ-ONLY COPY).

The authoritative reference and input builder live on the scoring server;
editing this copy changes nothing except your own understanding.
"""

import jax, jax.numpy as jnp
import numpy as np

B, S, E = 1024, 200, 128
V, K = 100000, 10

def setup_inputs(seed: int = 0) -> dict:
    key = jax.random.key(seed)
    k1, k2, k3, k4 = jax.random.split(key, 4)
    target_embs = jax.random.normal(k1, (B, S, E), dtype=jnp.float32)
    context_tensor = jax.random.normal(k2, (B, E), dtype=jnp.float32)
    sample_ids = jax.random.randint(k3, (B, S, K), 0, V, dtype=jnp.int64)
    emb_table = jax.random.normal(k4, (V, E), dtype=jnp.float32)
    return {"target_embs": target_embs, "context_tensor": context_tensor, "sample_ids": sample_ids, "emb_table": emb_table}

def reference(target_embs, context_tensor, sample_ids, emb_table):
    # positive samples loss: elementwise logsigmoid over emb dim, then sum over emb dim
    ctx = context_tensor[:, None, :]  # (B, 1, E) broadcast over seq
    positive_samples_loss = jax.nn.log_sigmoid(target_embs * ctx).sum(axis=-1)  # (B, S)
    # negative embeddings via table gather (SparseCore-mappable)
    negative_samples = jnp.take(emb_table, sample_ids, axis=0)  # (B, S, K, E)
    ctx_n = context_tensor[:, None, None, :]  # (B, 1, 1, E)
    negative_samples_loss = jax.nn.log_sigmoid((-negative_samples * ctx_n).sum(axis=-1)).sum(axis=-1)  # (B, S)
    return -(positive_samples_loss + negative_samples_loss).sum()

if __name__ == "__main__":
    import jax
    _d = setup_inputs()
    print(jax.jit(kernel)(*tuple(_d.values())))

</pallas_src>

<mosaic_0001>
#map = affine_map<(d0, d1) -> (0)>
module attributes {stable_mosaic.version = 14 : i64} {
  func.func @_sc_gather(%arg0: i32, %arg1: i32, %arg2: memref<52428800xi32, #tpu.memory_space<hbm>>, %arg3: memref<2048000xi32, #tpu.memory_space<hbm>>, %arg4: memref<2048000xi32, #tpu.memory_space<hbm>>, %arg5: memref<16000xi32, #tpu.memory_space<vmem>>, %arg6: memref<16000xi32, #tpu.memory_space<vmem>>, %arg7: memref<16000xi32, #tpu.memory_space<vmem>>, %arg8: memref<16000xi32, #tpu.memory_space<vmem>>, %arg9: memref<!tpu.dma_semaphore, #tpu.memory_space<semaphore_mem>>, %arg10: memref<!tpu.dma_semaphore, #tpu.memory_space<semaphore_mem>>, %arg11: memref<!tpu.dma_semaphore, #tpu.memory_space<semaphore_mem>>, %arg12: memref<!tpu.dma_semaphore, #tpu.memory_space<semaphore_mem>>, %arg13: memref<!tpu.dma_semaphore, #tpu.memory_space<semaphore_mem>>, %arg14: memref<!tpu.dma_semaphore, #tpu.memory_space<semaphore_mem>>) attributes {dimension_semantics = [#tpu.dimension_semantics<core_parallel>, #tpu.dimension_semantics<subcore_parallel>], iteration_bounds = array<i64: 2, 16>, scalar_prefetch = 0 : i64, scratch_operands = 10 : i64, tpu.core_type = #tpu.core_type<sc_vector_subcore>, window_params = [{transform_indices = #map}, {transform_indices = #map}, {transform_indices = #map}]} {
    %mul3A = arith.constant 2 : i32
    %mul3A_0 = arith.muli %arg1, %mul3A : i32
    %add3A = arith.addi %mul3A_0, %arg0 : i32
    %mul3A_1 = arith.constant 64000 : i32
    %mul3A_2 = arith.muli %add3A, %mul3A_1 : i32
    %add3A_3 = arith.constant 0 : i32
    %add3A_4 = arith.addi %mul3A_2, %add3A_3 : i32
    %dma_start3A = tpu.memref_slice %arg3[%add3A_4] : memref<2048000xi32, #tpu.memory_space<hbm>> -> memref<16000xi32, #tpu.memory_space<hbm>>
    %dma_start3A_5 = tpu.memref_slice %arg3[%add3A_4] : memref<2048000xi32, #tpu.memory_space<hbm>> -> memref<16000xi32, #tpu.memory_space<hbm>>
    tpu.enqueue_dma source(%dma_start3A_5 : memref<16000xi32, #tpu.memory_space<hbm>>) target(%arg5 : memref<16000xi32, #tpu.memory_space<vmem>>) target_semaphore(%arg9 : memref<!tpu.dma_semaphore, #tpu.memory_space<semaphore_mem>>)
    %dma_wait3A = tpu.memref_slice %arg3[%add3A_4] : memref<2048000xi32, #tpu.memory_space<hbm>> -> memref<16000xi32, #tpu.memory_space<hbm>>
    %dma_wait3A_6 = tpu.memref_slice %arg3[%add3A_4] : memref<2048000xi32, #tpu.memory_space<hbm>> -> memref<16000xi32, #tpu.memory_space<hbm>>
    tpu.wait_dma2 semaphore(%arg9 : memref<!tpu.dma_semaphore, #tpu.memory_space<semaphore_mem>>) src(%dma_wait3A_6 : memref<16000xi32, #tpu.memory_space<hbm>>) dst(%arg5 : memref<16000xi32, #tpu.memory_space<vmem>>)
    %dma_start3A_7 = arith.constant 0 : i32
    %dma_start3A_8 = tpu.memref_slice %arg2[%dma_start3A_7] : memref<52428800xi32, #tpu.memory_space<hbm>> -> memref<52428800xi32, #tpu.memory_space<hbm>>
    tpu.enqueue_indirect_dma source(%dma_start3A_8 : memref<52428800xi32, #tpu.memory_space<hbm>>) target(%arg7 : memref<16000xi32, #tpu.memory_space<vmem>>) offsets(%arg5 : memref<16000xi32, #tpu.memory_space<vmem>>) semaphore(%arg11 : memref<!tpu.dma_semaphore, #tpu.memory_space<semaphore_mem>>)
    %add3A_9 = arith.constant 16000 : i32
    %add3A_10 = arith.addi %mul3A_2, %add3A_9 : i32
    %dma_start3A_11 = tpu.memref_slice %arg3[%add3A_10] : memref<2048000xi32, #tpu.memory_space<hbm>> -> memref<16000xi32, #tpu.memory_space<hbm>>
    %dma_start3A_12 = tpu.memref_slice %arg3[%add3A_10] : memref<2048000xi32, #tpu.memory_space<hbm>> -> memref<16000xi32, #tpu.memory_space<hbm>>
    tpu.enqueue_dma source(%dma_start3A_12 : memref<16000xi32, #tpu.memory_space<hbm>>) target(%arg6 : memref<16000xi32, #tpu.memory_space<vmem>>) target_semaphore(%arg10 : memref<!tpu.dma_semaphore, #tpu.memory_space<semaphore_mem>>)
    %dma_wait3A_13 = tpu.memref_slice %arg3[%add3A_10] : memref<2048000xi32, #tpu.memory_space<hbm>> -> memref<16000xi32, #tpu.memory_space<hbm>>
    %dma_wait3A_14 = tpu.memref_slice %arg3[%add3A_10] : memref<2048000xi32, #tpu.memory_space<hbm>> -> memref<16000xi32, #tpu.memory_space<hbm>>
    tpu.wait_dma2 semaphore(%arg10 : memref<!tpu.dma_semaphore, #tpu.memory_space<semaphore_mem>>) src(%dma_wait3A_14 : memref<16000xi32, #tpu.memory_space<hbm>>) dst(%arg6 : memref<16000xi32, #tpu.memory_space<vmem>>)
    %dma_start3A_15 = arith.constant 0 : i32
    %dma_start3A_16 = tpu.memref_slice %arg2[%dma_start3A_15] : memref<52428800xi32, #tpu.memory_space<hbm>> -> memref<52428800xi32, #tpu.memory_space<hbm>>
    tpu.enqueue_indirect_dma source(%dma_start3A_16 : memref<52428800xi32, #tpu.memory_space<hbm>>) target(%arg8 : memref<16000xi32, #tpu.memory_space<vmem>>) offsets(%arg6 : memref<16000xi32, #tpu.memory_space<vmem>>) semaphore(%arg12 : memref<!tpu.dma_semaphore, #tpu.memory_space<semaphore_mem>>)
    %dma_wait3A_17 = arith.constant 0 : i32
    %dma_wait3A_18 = tpu.memref_slice %arg2[%dma_wait3A_17] : memref<52428800xi32, #tpu.memory_space<hbm>> -> memref<52428800xi32, #tpu.memory_space<hbm>>
    tpu.wait_indirect_dma semaphore(%arg11 : memref<!tpu.dma_semaphore, #tpu.memory_space<semaphore_mem>>) src(%dma_wait3A_18 : memref<52428800xi32, #tpu.memory_space<hbm>>) dst(%arg7 : memref<16000xi32, #tpu.memory_space<vmem>>)
    %add3A_19 = arith.constant 0 : i32
    %add3A_20 = arith.addi %mul3A_2, %add3A_19 : i32
    %dma_start3A_21 = tpu.memref_slice %arg4[%add3A_20] : memref<2048000xi32, #tpu.memory_space<hbm>> -> memref<16000xi32, #tpu.memory_space<hbm>>
    %dma_start3A_22 = tpu.memref_slice %arg4[%add3A_20] : memref<2048000xi32, #tpu.memory_space<hbm>> -> memref<16000xi32, #tpu.memory_space<hbm>>
    tpu.enqueue_dma source(%arg7 : memref<16000xi32, #tpu.memory_space<vmem>>) target(%dma_start3A_22 : memref<16000xi32, #tpu.memory_space<hbm>>) target_semaphore(%arg13 : memref<!tpu.dma_semaphore, #tpu.memory_space<semaphore_mem>>)
    %add3A_23 = arith.constant 32000 : i32
    %add3A_24 = arith.addi %mul3A_2, %add3A_23 : i32
    %dma_start3A_25 = tpu.memref_slice %arg3[%add3A_24] : memref<2048000xi32, #tpu.memory_space<hbm>> -> memref<16000xi32, #tpu.memory_space<hbm>>
    %dma_start3A_26 = tpu.memref_slice %arg3[%add3A_24] : memref<2048000xi32, #tpu.memory_space<hbm>> -> memref<16000xi32, #tpu.memory_space<hbm>>
    tpu.enqueue_dma source(%dma_start3A_26 : memref<16000xi32, #tpu.memory_space<hbm>>) target(%arg5 : memref<16000xi32, #tpu.memory_space<vmem>>) target_semaphore(%arg9 : memref<!tpu.dma_semaphore, #tpu.memory_space<semaphore_mem>>)
    %dma_wait3A_27 = tpu.memref_slice %arg3[%add3A_24] : memref<2048000xi32, #tpu.memory_space<hbm>> -> memref<16000xi32, #tpu.memory_space<hbm>>
    %dma_wait3A_28 = tpu.memref_slice %arg3[%add3A_24] : memref<2048000xi32, #tpu.memory_space<hbm>> -> memref<16000xi32, #tpu.memory_space<hbm>>
    tpu.wait_dma2 semaphore(%arg9 : memref<!tpu.dma_semaphore, #tpu.memory_space<semaphore_mem>>) src(%dma_wait3A_28 : memref<16000xi32, #tpu.memory_space<hbm>>) dst(%arg5 : memref<16000xi32, #tpu.memory_space<vmem>>)
    %dma_wait3A_29 = tpu.memref_slice %arg4[%add3A_20] : memref<2048000xi32, #tpu.memory_space<hbm>> -> memref<16000xi32, #tpu.memory_space<hbm>>
    %dma_wait3A_30 = tpu.memref_slice %arg4[%add3A_20] : memref<2048000xi32, #tpu.memory_space<hbm>> -> memref<16000xi32, #tpu.memory_space<hbm>>
    tpu.wait_dma2 semaphore(%arg13 : memref<!tpu.dma_semaphore, #tpu.memory_space<semaphore_mem>>) src(%arg7 : memref<16000xi32, #tpu.memory_space<vmem>>) dst(%dma_wait3A_30 : memref<16000xi32, #tpu.memory_space<hbm>>)
    %dma_start3A_31 = arith.constant 0 : i32
    %dma_start3A_32 = tpu.memref_slice %arg2[%dma_start3A_31] : memref<52428800xi32, #tpu.memory_space<hbm>> -> memref<52428800xi32, #tpu.memory_space<hbm>>
    tpu.enqueue_indirect_dma source(%dma_start3A_32 : memref<52428800xi32, #tpu.memory_space<hbm>>) target(%arg7 : memref<16000xi32, #tpu.memory_space<vmem>>) offsets(%arg5 : memref<16000xi32, #tpu.memory_space<vmem>>) semaphore(%arg11 : memref<!tpu.dma_semaphore, #tpu.memory_space<semaphore_mem>>)
    %dma_wait3A_33 = arith.constant 0 : i32
    %dma_wait3A_34 = tpu.memref_slice %arg2[%dma_wait3A_33] : memref<52428800xi32, #tpu.memory_space<hbm>> -> memref<52428800xi32, #tpu.memory_space<hbm>>
    tpu.wait_indirect_dma semaphore(%arg12 : memref<!tpu.dma_semaphore, #tpu.memory_space<semaphore_mem>>) src(%dma_wait3A_34 : memref<52428800xi32, #tpu.memory_space<hbm>>) dst(%arg8 : memref<16000xi32, #tpu.memory_space<vmem>>)
    %add3A_35 = arith.constant 16000 : i32
    %add3A_36 = arith.addi %mul3A_2, %add3A_35 : i32
    %dma_start3A_37 = tpu.memref_slice %arg4[%add3A_36] : memref<2048000xi32, #tpu.memory_space<hbm>> -> memref<16000xi32, #tpu.memory_space<hbm>>
    %dma_start3A_38 = tpu.memref_slice %arg4[%add3A_36] : memref<2048000xi32, #tpu.memory_space<hbm>> -> memref<16000xi32, #tpu.memory_space<hbm>>
    tpu.enqueue_dma source(%arg8 : memref<16000xi32, #tpu.memory_space<vmem>>) target(%dma_start3A_38 : memref<16000xi32, #tpu.memory_space<hbm>>) target_semaphore(%arg14 : memref<!tpu.dma_semaphore, #tpu.memory_space<semaphore_mem>>)
    %add3A_39 = arith.constant 48000 : i32
    %add3A_40 = arith.addi %mul3A_2, %add3A_39 : i32
    %dma_start3A_41 = tpu.memref_slice %arg3[%add3A_40] : memref<2048000xi32, #tpu.memory_space<hbm>> -> memref<16000xi32, #tpu.memory_space<hbm>>
    %dma_start3A_42 = tpu.memref_slice %arg3[%add3A_40] : memref<2048000xi32, #tpu.memory_space<hbm>> -> memref<16000xi32, #tpu.memory_space<hbm>>
    tpu.enqueue_dma source(%dma_start3A_42 : memref<16000xi32, #tpu.memory_space<hbm>>) target(%arg6 : memref<16000xi32, #tpu.memory_space<vmem>>) target_semaphore(%arg10 : memref<!tpu.dma_semaphore, #tpu.memory_space<semaphore_mem>>)
    %dma_wait3A_43 = tpu.memref_slice %arg3[%add3A_40] : memref<2048000xi32, #tpu.memory_space<hbm>> -> memref<16000xi32, #tpu.memory_space<hbm>>
    %dma_wait3A_44 = tpu.memref_slice %arg3[%add3A_40] : memref<2048000xi32, #tpu.memory_space<hbm>> -> memref<16000xi32, #tpu.memory_space<hbm>>
    tpu.wait_dma2 semaphore(%arg10 : memref<!tpu.dma_semaphore, #tpu.memory_space<semaphore_mem>>) src(%dma_wait3A_44 : memref<16000xi32, #tpu.memory_space<hbm>>) dst(%arg6 : memref<16000xi32, #tpu.memory_space<vmem>>)
    %dma_wait3A_45 = tpu.memref_slice %arg4[%add3A_36] : memref<2048000xi32, #tpu.memory_space<hbm>> -> memref<16000xi32, #tpu.memory_space<hbm>>
    %dma_wait3A_46 = tpu.memref_slice %arg4[%add3A_36] : memref<2048000xi32, #tpu.memory_space<hbm>> -> memref<16000xi32, #tpu.memory_space<hbm>>
    tpu.wait_dma2 semaphore(%arg14 : memref<!tpu.dma_semaphore, #tpu.memory_space<semaphore_mem>>) src(%arg8 : memref<16000xi32, #tpu.memory_space<vmem>>) dst(%dma_wait3A_46 : memref<16000xi32, #tpu.memory_space<hbm>>)
    %dma_start3A_47 = arith.constant 0 : i32
    %dma_start3A_48 = tpu.memref_slice %arg2[%dma_start3A_47] : memref<52428800xi32, #tpu.memory_space<hbm>> -> memref<52428800xi32, #tpu.memory_space<hbm>>
    tpu.enqueue_indirect_dma source(%dma_start3A_48 : memref<52428800xi32, #tpu.memory_space<hbm>>) target(%arg8 : memref<16000xi32, #tpu.memory_space<vmem>>) offsets(%arg6 : memref<16000xi32, #tpu.memory_space<vmem>>) semaphore(%arg12 : memref<!tpu.dma_semaphore, #tpu.memory_space<semaphore_mem>>)
    %dma_wait3A_49 = arith.constant 0 : i32
    %dma_wait3A_50 = tpu.memref_slice %arg2[%dma_wait3A_49] : memref<52428800xi32, #tpu.memory_space<hbm>> -> memref<52428800xi32, #tpu.memory_space<hbm>>
    tpu.wait_indirect_dma semaphore(%arg11 : memref<!tpu.dma_semaphore, #tpu.memory_space<semaphore_mem>>) src(%dma_wait3A_50 : memref<52428800xi32, #tpu.memory_space<hbm>>) dst(%arg7 : memref<16000xi32, #tpu.memory_space<vmem>>)
    %add3A_51 = arith.constant 32000 : i32
    %add3A_52 = arith.addi %mul3A_2, %add3A_51 : i32
    %dma_start3A_53 = tpu.memref_slice %arg4[%add3A_52] : memref<2048000xi32, #tpu.memory_space<hbm>> -> memref<16000xi32, #tpu.memory_space<hbm>>
    %dma_start3A_54 = tpu.memref_slice %arg4[%add3A_52] : memref<2048000xi32, #tpu.memory_space<hbm>> -> memref<16000xi32, #tpu.memory_space<hbm>>
    tpu.enqueue_dma source(%arg7 : memref<16000xi32, #tpu.memory_space<vmem>>) target(%dma_start3A_54 : memref<16000xi32, #tpu.memory_space<hbm>>) target_semaphore(%arg13 : memref<!tpu.dma_semaphore, #tpu.memory_space<semaphore_mem>>)
    %dma_wait3A_55 = arith.constant 0 : i32
    %dma_wait3A_56 = tpu.memref_slice %arg2[%dma_wait3A_55] : memref<52428800xi32, #tpu.memory_space<hbm>> -> memref<52428800xi32, #tpu.memory_space<hbm>>
    tpu.wait_indirect_dma semaphore(%arg12 : memref<!tpu.dma_semaphore, #tpu.memory_space<semaphore_mem>>) src(%dma_wait3A_56 : memref<52428800xi32, #tpu.memory_space<hbm>>) dst(%arg8 : memref<16000xi32, #tpu.memory_space<vmem>>)
    %add3A_57 = arith.constant 48000 : i32
    %add3A_58 = arith.addi %mul3A_2, %add3A_57 : i32
    %dma_start3A_59 = tpu.memref_slice %arg4[%add3A_58] : memref<2048000xi32, #tpu.memory_space<hbm>> -> memref<16000xi32, #tpu.memory_space<hbm>>
    %dma_start3A_60 = tpu.memref_slice %arg4[%add3A_58] : memref<2048000xi32, #tpu.memory_space<hbm>> -> memref<16000xi32, #tpu.memory_space<hbm>>
    tpu.enqueue_dma source(%arg8 : memref<16000xi32, #tpu.memory_space<vmem>>) target(%dma_start3A_60 : memref<16000xi32, #tpu.memory_space<hbm>>) target_semaphore(%arg14 : memref<!tpu.dma_semaphore, #tpu.memory_space<semaphore_mem>>)
    %dma_wait3A_61 = tpu.memref_slice %arg4[%add3A_58] : memref<2048000xi32, #tpu.memory_space<hbm>> -> memref<16000xi32, #tpu.memory_space<hbm>>
    %dma_wait3A_62 = tpu.memref_slice %arg4[%add3A_58] : memref<2048000xi32, #tpu.memory_space<hbm>> -> memref<16000xi32, #tpu.memory_space<hbm>>
    tpu.wait_dma2 semaphore(%arg14 : memref<!tpu.dma_semaphore, #tpu.memory_space<semaphore_mem>>) src(%arg8 : memref<16000xi32, #tpu.memory_space<vmem>>) dst(%dma_wait3A_62 : memref<16000xi32, #tpu.memory_space<hbm>>)
    %dma_wait3A_63 = tpu.memref_slice %arg4[%add3A_52] : memref<2048000xi32, #tpu.memory_space<hbm>> -> memref<16000xi32, #tpu.memory_space<hbm>>
    %dma_wait3A_64 = tpu.memref_slice %arg4[%add3A_52] : memref<2048000xi32, #tpu.memory_space<hbm>> -> memref<16000xi32, #tpu.memory_space<hbm>>
    tpu.wait_dma2 semaphore(%arg13 : memref<!tpu.dma_semaphore, #tpu.memory_space<semaphore_mem>>) src(%arg7 : memref<16000xi32, #tpu.memory_space<vmem>>) dst(%dma_wait3A_64 : memref<16000xi32, #tpu.memory_space<hbm>>)
    return
  }
}

module attributes {stable_mosaic.version = 14 : i64} {
  func.func @_matmul_body(%arg0: i32, %arg1: memref<4096x128xf32, #tpu.memory_space<vmem>>, %arg2: memref<1024x128xf32, #tpu.memory_space<vmem>>, %arg3: memref<2097152xi32, #tpu.memory_space<vmem>>) attributes {dimension_semantics = [#tpu.dimension_semantics<arbitrary>], iteration_bounds = array<i64: 25>, scalar_prefetch = 0 : i64, scratch_operands = 0 : i64, tpu.core_type = #tpu.core_type<tc>, window_params = [{transform_indices = @transform_0, window_bounds = array<i64: 4096, 128>}, {pipeline_mode = #tpu.pipeline_mode<synchronous>, transform_indices = @transform_1, window_bounds = array<i64: 1024, 128>}, {transform_indices = @transform_2, window_bounds = array<i64: 2097152>}]} {
    %get3A = arith.constant 0 : index
    %get3A_0 = arith.constant 0 : index
    %get3A_1 = vector.load %arg1[%get3A, %get3A_0] : memref<4096x128xf32, #tpu.memory_space<vmem>>, vector<4096x128xf32>
    %convert_element_type3A = arith.truncf %get3A_1 : vector<4096x128xf32> to vector<4096x128xbf16>
    %get3A_2 = arith.constant 0 : index
    %get3A_3 = arith.constant 0 : index
    %get3A_4 = vector.load %arg2[%get3A_2, %get3A_3] : memref<1024x128xf32, #tpu.memory_space<vmem>>, vector<1024x128xf32>
    %convert_element_type3A_5 = arith.truncf %get3A_4 : vector<1024x128xf32> to vector<1024x128xbf16>
    %dot_general3A = arith.constant dense<0.000000e+00> : vector<4096x1024xf32>
    %dot_general3A_6 = tpu.matmul %convert_element_type3A, %convert_element_type3A_5, %dot_general3A {dimension_numbers = #tpu.dot_dimension_numbers<[1], [1], [0], [0], [0, 0, 1, 0], [], []>, transpose_lhs_hint = false} : vector<4096x128xbf16>, vector<1024x128xbf16>, vector<4096x1024xf32> -> vector<4096x1024xf32>
    %convert_element_type3A_7 = arith.truncf %dot_general3A_6 : vector<4096x1024xf32> to vector<4096x1024xbf16>
    %slice3A = vector.extract_strided_slice %convert_element_type3A_7 {offsets = [0, 0], sizes = [2048, 1024], strides = [1, 1]} : vector<4096x1024xbf16> to vector<2048x1024xbf16>
    %bitcast_convert_type3A = tpu.bitcast %slice3A : vector<2048x1024xbf16> -> vector<2048x1024xi16>
    %slice3A_8 = vector.extract_strided_slice %convert_element_type3A_7 {offsets = [2048, 0], sizes = [2048, 1024], strides = [1, 1]} : vector<4096x1024xbf16> to vector<2048x1024xbf16>
    %bitcast_convert_type3A_9 = tpu.bitcast %slice3A_8 : vector<2048x1024xbf16> -> vector<2048x1024xi16>
    %convert_element_type3A_10 = arith.extsi %bitcast_convert_type3A_9 : vector<2048x1024xi16> to vector<2048x1024xi32>
    %shift_left3A = arith.constant 16 : i32
    %shift_left3A_11 = vector.broadcast %shift_left3A : i32 to vector<2048x1024xi32>
    %shift_left3A_12 = arith.shli %convert_element_type3A_10, %shift_left3A_11 : vector<2048x1024xi32>
    %convert_element_type3A_13 = arith.extsi %bitcast_convert_type3A : vector<2048x1024xi16> to vector<2048x1024xi32>
    %and3A = arith.constant 65535 : i32
    %and3A_14 = vector.broadcast %and3A : i32 to vector<2048x1024xi32>
    %and3A_15 = arith.andi %convert_element_type3A_13, %and3A_14 : vector<2048x1024xi32>
    %or3A = arith.ori %shift_left3A_12, %and3A_15 : vector<2048x1024xi32>
    %reshape3A = vector.shape_cast %or3A : vector<2048x1024xi32> to vector<2097152xi32>
    %swap3A = arith.constant 0 : index
    %swap3A_16 = vector.load %arg3[%swap3A] : memref<2097152xi32, #tpu.memory_space<vmem>>, vector<2097152xi32>
    tpu.vector_store %arg3[%swap3A], %reshape3A {strides = array<i32>} : memref<2097152xi32, #tpu.memory_space<vmem>>, vector<2097152xi32>,
    return
  }
  func.func @transform_0(%arg0: i32) -> (i32, i32) {
    %c0_i32 = arith.constant 0 : i32
    %c0_i32_0 = arith.constant 0 : i32
    return %arg0, %c0_i32 : i32, i32
  }
  func.func @transform_1(%arg0: i32) -> (i32, i32) {
    %c0_i32 = arith.constant 0 : i32
    %c0_i32_0 = arith.constant 0 : i32
    %c0_i32_1 = arith.constant 0 : i32
    return %c0_i32, %c0_i32_0 : i32, i32
  }
  func.func @transform_2(%arg0: i32) -> i32 {
    %c0_i32 = arith.constant 0 : i32
    return %arg0 : i32
  }
}

module attributes {stable_mosaic.version = 14 : i64} {
  func.func @_pos_body(%arg0: i32, %arg1: memref<64x200x128xf32, #tpu.memory_space<vmem>>, %arg2: memref<64x128xf32, #tpu.memory_space<vmem>>, %arg3: memref<1x1xf32, #tpu.memory_space<smem>>) attributes {dimension_semantics = [#tpu.dimension_semantics<arbitrary>], iteration_bounds = array<i64: 16>, scalar_prefetch = 0 : i64, scratch_operands = 0 : i64, tpu.core_type = #tpu.core_type<tc>, window_params = [{transform_indices = @transform_0, window_bounds = array<i64: 64, 200, 128>}, {transform_indices = @transform_1, window_bounds = array<i64: 64, 128>}, {transform_indices = @transform_2, window_bounds = array<i64: 1, 1>}]} {
    %get3A = arith.constant 0 : index
    %get3A_0 = arith.constant 0 : index
    %get3A_1 = vector.load %arg2[%get3A, %get3A_0] : memref<64x128xf32, #tpu.memory_space<vmem>>, vector<64x128xf32>
    %get3A_2 = arith.constant 0 : index
    %get3A_3 = arith.constant 0 : index
    %get3A_4 = arith.constant 0 : index
    %get3A_5 = vector.load %arg1[%get3A_2, %get3A_3, %get3A_4] : memref<64x200x128xf32, #tpu.memory_space<vmem>>, vector<64x200x128xf32>
    %broadcast_in_dim3A = vector.shape_cast %get3A_1 : vector<64x128xf32> to vector<64x1x128xf32>
    %mul3A = vector.broadcast %broadcast_in_dim3A : vector<64x1x128xf32> to vector<64x200x128xf32>
    %mul3A_6 = arith.mulf %get3A_5, %mul3A : vector<64x200x128xf32>
    %min3A = arith.constant 0.000000e+00 : f32
    %min3A_7 = vector.broadcast %min3A : f32 to vector<64x200x128xf32>
    %min3A_8 = arith.minimumf %mul3A_6, %min3A_7 : vector<64x200x128xf32>
    %abs3A = math.absf %mul3A_6 : vector<64x200x128xf32>
    %neg3A = arith.constant 0.000000e+00 : f32
    %neg3A_9 = vector.broadcast %neg3A : f32 to vector<64x200x128xf32>
    %neg3A_10 = arith.subf %neg3A_9, %abs3A : vector<64x200x128xf32>
    %exp3A = math.exp %neg3A_10 : vector<64x200x128xf32>
    %log1p3A = math.log1p %exp3A : vector<64x200x128xf32>
    %sub3A = arith.subf %min3A_8, %log1p3A : vector<64x200x128xf32>
    %reduce_sum3A = vector.shape_cast %sub3A : vector<64x200x128xf32> to vector<1x64x200x128xf32>
    %reduce_sum3A_11 = arith.constant dense<0.000000e+00> : vector<1xf32>
    %reduce_sum3A_12 = vector.multi_reduction <add>, %reduce_sum3A, %reduce_sum3A_11 [1, 2, 3] : vector<1x64x200x128xf32> to vector<1xf32>
    %reduce_sum3A_13 = vector.shape_cast %reduce_sum3A_12 : vector<1xf32> to vector<1x1x1x1xf32>
    %reduce_sum3A_14 = vector.extract %reduce_sum3A_13[0, 0, 0, 0] : f32 from vector<1x1x1x1xf32>
    %eq3A = arith.constant 0 : i32
    %eq3A_15 = arith.cmpi eq, %arg0, %eq3A : i32
    %convert_element_type3A = arith.extui %eq3A_15 : i1 to i32
    %cond3A = arith.constant 0 : i32
    %cond3A_16 = arith.cmpi ne, %convert_element_type3A, %cond3A : i32
    scf.if %cond3A_16 {
      %swap3A_24 = arith.constant 0.000000e+00 : f32
      %swap3A_25 = arith.constant 0 : index
      %swap3A_26 = arith.constant 0 : index
      %swap3A_27 = memref.load %arg3[%swap3A_25, %swap3A_26] : memref<1x1xf32, #tpu.memory_space<smem>>
      memref.store %swap3A_24, %arg3[%swap3A_25, %swap3A_26] : memref<1x1xf32, #tpu.memory_space<smem>>
    } else {
    }
    %get3A_17 = arith.constant 0 : index
    %get3A_18 = arith.constant 0 : index
    %get3A_19 = memref.load %arg3[%get3A_17, %get3A_18] : memref<1x1xf32, #tpu.memory_space<smem>>
    %neg3A_20 = arith.constant 0.000000e+00 : f32
    %neg3A_21 = arith.subf %neg3A_20, %reduce_sum3A_14 : f32
    %add3A = arith.addf %get3A_19, %neg3A_21 : f32
    %swap3A = arith.constant 0 : index
    %swap3A_22 = arith.constant 0 : index
    %swap3A_23 = memref.load %arg3[%swap3A, %swap3A_22] : memref<1x1xf32, #tpu.memory_space<smem>>
    memref.store %add3A, %arg3[%swap3A, %swap3A_22] : memref<1x1xf32, #tpu.memory_space<smem>>
    return
  }
  func.func @transform_0(%arg0: i32) -> (i32, i32, i32) {
    %c0_i32 = arith.constant 0 : i32
    %c0_i32_0 = arith.constant 0 : i32
    %c0_i32_1 = arith.constant 0 : i32
    return %arg0, %c0_i32, %c0_i32_0 : i32, i32, i32
  }
  func.func @transform_1(%arg0: i32) -> (i32, i32) {
    %c0_i32 = arith.constant 0 : i32
    %c0_i32_0 = arith.constant 0 : i32
    return %arg0, %c0_i32 : i32, i32
  }
  func.func @transform_2(%arg0: i32) -> (i32, i32) {
    %c0_i32 = arith.constant 0 : i32
    %c0_i32_0 = arith.constant 0 : i32
    %c0_i32_1 = arith.constant 0 : i32
    return %c0_i32, %c0_i32_0 : i32, i32
  }
}

module attributes {stable_mosaic.version = 14 : i64} {
  func.func @_neg_body(%arg0: i32, %arg1: memref<512000xi32, #tpu.memory_space<vmem>>, %arg2: memref<512000xi32, #tpu.memory_space<vmem>>, %arg3: memref<1x1xf32, #tpu.memory_space<smem>>) attributes {dimension_semantics = [#tpu.dimension_semantics<arbitrary>], iteration_bounds = array<i64: 4>, scalar_prefetch = 0 : i64, scratch_operands = 0 : i64, tpu.core_type = #tpu.core_type<tc>, window_params = [{transform_indices = @transform_0, window_bounds = array<i64: 512000>}, {transform_indices = @transform_1, window_bounds = array<i64: 512000>}, {transform_indices = @transform_2, window_bounds = array<i64: 1, 1>}]} {
    %get3A = arith.constant 0 : index
    %get3A_0 = vector.load %arg1[%get3A] : memref<512000xi32, #tpu.memory_space<vmem>>, vector<512000xi32>
    %reshape3A = vector.shape_cast %get3A_0 : vector<512000xi32> to vector<500x1024xi32>
    %get3A_1 = arith.constant 0 : index
    %get3A_2 = vector.load %arg2[%get3A_1] : memref<512000xi32, #tpu.memory_space<vmem>>, vector<512000xi32>
    %reshape3A_3 = vector.shape_cast %get3A_2 : vector<512000xi32> to vector<500x1024xi32>
    %eq3A = arith.constant 1 : i32
    %eq3A_4 = vector.broadcast %eq3A : i32 to vector<500x1024xi32>
    %eq3A_5 = arith.cmpi eq, %reshape3A_3, %eq3A_4 : vector<500x1024xi32>
    %and3A = arith.constant -65536 : i32
    %and3A_6 = vector.broadcast %and3A : i32 to vector<500x1024xi32>
    %and3A_7 = arith.andi %reshape3A, %and3A_6 : vector<500x1024xi32>
    %shift_left3A = arith.constant 16 : i32
    %shift_left3A_8 = vector.broadcast %shift_left3A : i32 to vector<500x1024xi32>
    %shift_left3A_9 = arith.shli %reshape3A, %shift_left3A_8 : vector<500x1024xi32>
    %select_n3A = arith.select %eq3A_5, %and3A_7, %shift_left3A_9 : vector<500x1024xi1>, vector<500x1024xi32>
    %bitcast_convert_type3A = tpu.bitcast %select_n3A : vector<500x1024xi32> -> vector<500x1024xf32>
    %neg3A = arith.constant 0.000000e+00 : f32
    %neg3A_10 = vector.broadcast %neg3A : f32 to vector<500x1024xf32>
    %neg3A_11 = arith.subf %neg3A_10, %bitcast_convert_type3A : vector<500x1024xf32>
    %min3A = arith.constant 0.000000e+00 : f32
    %min3A_12 = vector.broadcast %min3A : f32 to vector<500x1024xf32>
    %min3A_13 = arith.minimumf %neg3A_11, %min3A_12 : vector<500x1024xf32>
    %abs3A = math.absf %bitcast_convert_type3A : vector<500x1024xf32>
    %neg3A_14 = arith.constant 0.000000e+00 : f32
    %neg3A_15 = vector.broadcast %neg3A_14 : f32 to vector<500x1024xf32>
    %neg3A_16 = arith.subf %neg3A_15, %abs3A : vector<500x1024xf32>
    %exp3A = math.exp %neg3A_16 : vector<500x1024xf32>
    %log1p3A = math.log1p %exp3A : vector<500x1024xf32>
    %sub3A = arith.subf %min3A_13, %log1p3A : vector<500x1024xf32>
    %reduce_sum3A = vector.shape_cast %sub3A : vector<500x1024xf32> to vector<1x500x1024xf32>
    %reduce_sum3A_17 = arith.constant dense<0.000000e+00> : vector<1xf32>
    %reduce_sum3A_18 = vector.multi_reduction <add>, %reduce_sum3A, %reduce_sum3A_17 [1, 2] : vector<1x500x1024xf32> to vector<1xf32>
    %reduce_sum3A_19 = vector.shape_cast %reduce_sum3A_18 : vector<1xf32> to vector<1x1x1xf32>
    %reduce_sum3A_20 = vector.extract %reduce_sum3A_19[0, 0, 0] : f32 from vector<1x1x1xf32>
    %eq3A_21 = arith.constant 0 : i32
    %eq3A_22 = arith.cmpi eq, %arg0, %eq3A_21 : i32
    %convert_element_type3A = arith.extui %eq3A_22 : i1 to i32
    %cond3A = arith.constant 0 : i32
    %cond3A_23 = arith.cmpi ne, %convert_element_type3A, %cond3A : i32
    scf.if %cond3A_23 {
      %swap3A_31 = arith.constant 0.000000e+00 : f32
      %swap3A_32 = arith.constant 0 : index
      %swap3A_33 = arith.constant 0 : index
      %swap3A_34 = memref.load %arg3[%swap3A_32, %swap3A_33] : memref<1x1xf32, #tpu.memory_space<smem>>
      memref.store %swap3A_31, %arg3[%swap3A_32, %swap3A_33] : memref<1x1xf32, #tpu.memory_space<smem>>
    } else {
    }
    %get3A_24 = arith.constant 0 : index
    %get3A_25 = arith.constant 0 : index
    %get3A_26 = memref.load %arg3[%get3A_24, %get3A_25] : memref<1x1xf32, #tpu.memory_space<smem>>
    %neg3A_27 = arith.constant 0.000000e+00 : f32
    %neg3A_28 = arith.subf %neg3A_27, %reduce_sum3A_20 : f32
    %add3A = arith.addf %get3A_26, %neg3A_28 : f32
    %swap3A = arith.constant 0 : index
    %swap3A_29 = arith.constant 0 : index
    %swap3A_30 = memref.load %arg3[%swap3A, %swap3A_29] : memref<1x1xf32, #tpu.memory_space<smem>>
    memref.store %add3A, %arg3[%swap3A, %swap3A_29] : memref<1x1xf32, #tpu.memory_space<smem>>
    return
  }
  func.func @transform_0(%arg0: i32) -> i32 {
    %c0_i32 = arith.constant 0 : i32
    return %arg0 : i32
  }
  func.func @transform_1(%arg0: i32) -> i32 {
    %c0_i32 = arith.constant 0 : i32
    return %arg0 : i32
  }
  func.func @transform_2(%arg0: i32) -> (i32, i32) {
    %c0_i32 = arith.constant 0 : i32
    %c0_i32_0 = arith.constant 0 : i32
    %c0_i32_1 = arith.constant 0 : i32
    return %c0_i32, %c0_i32_0 : i32, i32
  }
}

</mosaic_0001>

<sc_bundles>
// kernel: kernel.6.cloned.1.call-start
scs
__scs_entry_jumppad:
0x0: {  	(pc) =	sbr.rel $0x88, $3  }
0x1: {  	(tag) =	ssettag $0x0;
	lr =	simm.s32 $0x1  }
0x2: {  	[smem:$0x3F9D] =	sst lr;
	_ =	strace $0xD0000000  }
0x3: {  	_ = 	snop  }
0x4: {  	_ = 	snop  }
0x5: {  	_ = 	snop  }
0x6: {  	_ = 	snop  }
0x7: {  	_ = 	snop  }
__scs_overlays_trampoline_lowered:
0x8: {  	[smem:$0x3FAC] =	sst s0  }
0x9: {  	[smem:$0x3FAD] =	sst s1  }
0xa: {  	[smem:$0x3FAE] =	sst s2  }
0xb: {  	[smem:$0x3FAF] =	sst s3  }
0xc: {  	[smem:$0x3FB0] =	sst s4  }
0xd: {  	[smem:$0x3FB1] =	sst s5  }
0xe: {  	[smem:$0x3FB2] =	sst s6  }
0xf: {  	[smem:$0x3FB3] =	sst s7  }
0x10: {  	[smem:$0x3FB4] =	sst s8  }
0x11: {  	[smem:$0x3FB5] =	sst s9;
	s0 =	simm.s32 @!p0 $0x0  }
0x12: {  	s1 =	sld [smem:$0x3F9B];
	s0 =	simm.s32 @p0 $0x1  }
0x13: {  	[smem:$0x3FB6] =	sst s0;
	s0 =	simm.s32 @!p1 $0x0  }
0x14: {  	s2 =	sld [smem:$0x3F9A];
	s0 =	simm.s32 @p1 $0x1  }
0x15: {  	[smem:$0x3FB7] =	sst s0;
	s0 =	simm.s32 @!p2 $0x0  }
0x16: {  	s3 =	sld [smem:$0x3FDB];
	s0 =	simm.s32 @p2 $0x1  }
0x17: {  	s4 =	simm.s32 $0x1BF5;
	[smem:$0x3FB9] =	sst s0  }
0x18: {  	s0 =	sld [smem:$0x3F9C];
	_ =	swait.ge [sflag:s4], $0x0  }
0x19: {  	s7 =	sld [smem:$0x3F9D]  }
0x1a: {  	s8 =	sadd.s32 $0xFFFFE003, lr  }
0x1b: {  	s9 =	sadd.s32 $0xFFFFFEF7, lr;
	s5 =	simm.s32 $0xFFFFFFFF;
	p2 =	slt.u32 s8, $0xFFFFF086  }
0x1c: {  	p1 =	slt.u32 s9, $0xF7A;
	s5 =	simm.s32 @!p2 $0x0  }
0x1d: {  	s5 =	simm.s32 @p1 $0x1;
	p0 =	seq.s32 s7, s2  }
0x1e: {  	s7 =	smul.u32 @!p0 $0xF7A, s2;
	p2 =	seq.s32 @!p0 s5, $0x0  }
0x1f: {  	s9 =	smul.u32 $0xF7A, s1;
	s8 =	simm.s32 @!p0 $0x1BF5;
	p2 =	por !p2, p0  }
0x20: {  	[sflag:s8] =	ssyncset.s32 @!p0 $0xFFFFF086;
	s6 =	sadd.s32 @!p0 s3, s7;
	s7 =	simm.s32 @!p0 $0x108  }
0x21: {  	s3 =	sadd.s32 s3, s9;
	s6 =	sadd.s32 @!p0 $0x88, s6;
	s7 =	simm.s32 @p2 $0x1082  }
0x22: {  	[simem:s7], [sflag:s8] =	dma.local @!p0 [hbm:s6], $0xF7A  }
0x23: {  	s9 =	sor.u32 $0xD0000000, s2;
	s6 =	simm.s32 $0x108;
	_ =	swait.ge @!p0 [sflag:s8], $0x0  }
0x24: {  	s3 =	sadd.s32 $0x88, s3;
	s6 =	simm.s32 @!p1 $0x1082;
	[sflag:s4] =	ssyncset.s32 $0xFFFFF086  }
0x25: {  	[simem:s6], [sflag:s4] =	dma.local [hbm:s3], $0xF7A  }
0x26: {  	[smem:$0x3F9D] =	sst s1;
	(tag) =	ssettag s2;
	_ =	strace s9  }
0x27: {  	s1 =	sld [smem:$0x3FAD]  }
0x28: {  	s2 =	sld [smem:$0x3FAE]  }
0x29: {  	s4 =	sld [smem:$0x3FB0]  }
0x2a: {  	p0 =	seq.s32 s5, $0x0;
	s5 =	sld [smem:$0x3FB1]  }
0x2b: {  	s6 =	sld [smem:$0x3FB2]  }
0x2c: {  	s7 =	sld [smem:$0x3FB3]  }
0x2d: {  	s3 =	simm.s32 $0x108;
	s8 =	sld [smem:$0x3FB4]  }
0x2e: {  	s3 =	simm.s32 @!p0 $0x1082;
	s9 =	sld [smem:$0x3FB5]  }
0x2f: {  	lr =	sadd.s32 s0, s3;
	s0 =	sld [smem:$0x3FAC]  }
0x30: {  	s3 =	sld [smem:$0x3FAF]  }
0x31: {  	[smem:$0x3FB8] =	sst s10  }
0x32: {  	s10 =	sld [smem:$0x3FB6];
	_ =	sdelay $0x3  }
0x33: {  	p0 =	seq.s32 s10, $0x1;
	s10 =	sld [smem:$0x3FB8];
	_ =	sdelay $0x3  }
0x34: {  	[smem:$0x3FB8] =	sst s10  }
0x35: {  	s10 =	sld [smem:$0x3FB7];
	_ =	sdelay $0x3  }
0x36: {  	p1 =	seq.s32 s10, $0x1;
	s10 =	sld [smem:$0x3FB8];
	_ =	sdelay $0x3  }
0x37: {  	[smem:$0x3FB8] =	sst s10  }
0x38: {  	s10 =	sld [smem:$0x3FB9]  }
0x39: {  	_ = 	snop;
	(pc) =	sbr.ind lr, $3  }
0x3a: {  	_ = 	snop  }
0x3b: {  	_ = 	snop  }
0x3c: {  	p2 =	seq.s32 s10, $0x1;
	s10 =	sld [smem:$0x3FB8]  }
0x3d: {  	_ =	shalt  }
0x3e: {  	_ =	shalt  }
0x3f: {  	_ =	shalt  }
0x40: {  	_ =	shalt  }
0x41: {  	_ =	shalt  }
0x42: {  	_ =	shalt  }
0x43: {  	_ =	shalt  }
0x44: {  	_ =	shalt  }
0x45: {  	_ =	shalt  }
0x46: {  	_ =	shalt  }
0x47: {  	_ =	shalt  }
0x48: {  	_ =	shalt  }
0x49: {  	_ =	shalt  }
0x4a: {  	_ =	shalt  }
0x4b: {  	_ =	shalt  }
0x4c: {  	_ =	shalt  }
0x4d: {  	_ =	shalt  }
0x4e: {  	_ =	shalt  }
0x4f: {  	_ =	shalt  }
0x50: {  	_ =	shalt  }
0x51: {  	_ =	shalt  }
0x52: {  	_ =	shalt  }
0x53: {  	_ =	shalt  }
0x54: {  	_ =	shalt  }
0x55: {  	_ =	shalt  }
0x56: {  	_ =	shalt  }
0x57: {  	_ =	shalt  }
0x58: {  	_ =	shalt  }
0x59: {  	_ =	shalt  }
0x5a: {  	_ =	shalt  }
0x5b: {  	_ =	shalt  }
0x5c: {  	_ =	shalt  }
0x5d: {  	_ =	shalt  }
0x5e: {  	_ =	shalt  }
0x5f: {  	_ =	shalt  }
0x60: {  	_ =	shalt  }
0x61: {  	_ =	shalt  }
0x62: {  	_ =	shalt  }
0x63: {  	_ =	shalt  }
0x64: {  	_ =	shalt  }
0x65: {  	_ =	shalt  }
0x66: {  	_ =	shalt  }
0x67: {  	_ =	shalt  }
0x68: {  	_ =	shalt  }
0x69: {  	_ =	shalt  }
0x6a: {  	_ =	shalt  }
0x6b: {  	_ =	shalt  }
0x6c: {  	_ =	shalt  }
0x6d: {  	_ =	shalt  }
0x6e: {  	_ =	shalt  }
0x6f: {  	_ =	shalt  }
0x70: {  	_ =	shalt  }
0x71: {  	_ =	shalt  }
0x72: {  	_ =	shalt  }
0x73: {  	_ =	shalt  }
0x74: {  	_ =	shalt  }
0x75: {  	_ =	shalt  }
0x76: {  	_ =	shalt  }
0x77: {  	_ =	shalt  }
0x78: {  	_ =	shalt  }
0x79: {  	_ =	shalt  }
0x7a: {  	_ =	shalt  }
0x7b: {  	_ =	shalt  }
0x7c: {  	_ =	shalt  }
0x7d: {  	_ =	shalt  }
0x7e: {  	_ =	shalt  }
0x7f: {  	_ =	shalt  }
0x80: {  	_ =	shalt  }
0x81: {  	_ =	shalt  }
0x82: {  	_ =	shalt  }
0x83: {  	_ =	shalt  }
0x84: {  	_ =	shalt  }
0x85: {  	_ =	shalt  }
0x86: {  	_ =	shalt  }
0x87: {  	_ =	shalt  }
.Lfunc_end0:
.L_simem_size_0:
called_computation_lowered:
.L_overlay_start_0:
0x88: {  	s2 =	sld [smem:$0x3FD9]  }
0x89: {  	s3 =	sld [smem:$0x3FFE];
	_ =	sdelay $0x1  }
0x8a: {  	s1 =	srdreg.scid  }
0x8b: {  	s0 =	sand.u32 $0x1, s1  }
0x8c: {  	s16 =	sshll.u32 s0, $0xA;
	s2 =	sadd.s32 s3, s2  }
0x8d: {  	s2 =	sadd.s32 s2, s16  }
0x8e: {  	[smem:$0x3FC4] =	sst s2  }
0x8f: {  	_ = 	snop  }
0x90: {  	(tm) =	ssettm $0x1  }
0x91: {  	s17 =	sld [smem:$0x3FFB];
	_ =	sdelay $0x3  }
0x92: {  	_ =	strace s17  }
0x93: {  	s2 =	sld [smem:$0x3FFC];
	_ =	sdelay $0x3  }
0x94: {  	_ =	strace s2  }
0x95: {  	s2 =	sld [smem:$0x3FFD];
	_ =	sdelay $0x3  }
0x96: {  	_ =	strace s2  }
0x97: {  	_ =	strace $0x8FFFFFFF  }
0x98: {  	s18 =	sld [smem:$0x3FDB];
	_ =	sdelay $0x1  }
0x99: {  	s19 =	simm.s32 $_scs_section_size  }
0x9a: {  	s4 =	simm.s32 $_size__tile_overlayer_lowered;
	s5 =	simm.s32 $_tile_overlayer_lowered  }
0x9b: {  	s22 =	simm.s32 $0x1BFF;
	s21 =	sshll.u32 s5, $0x1;
	s2 =	sadd.s32 s19, s18  }
0x9c: {  	s6 =	simm.s32 $0x0;
	s20 =	sshll.u32 s4, $0x1;
	s4 =	sadd.s32 s21, s2  }
0x9d: {  	[timem:s6], [sflag:s22] =	dma.local [hbm:s4], s20  }
0x9e: {  	_ =	swait.ge [sflag:s22], s20  }
0x9f: {  	s3 =	ssub.s32 $0x0, s20;
	[sflag:s22] =	ssyncset.done $0x0  }
0xa0: {  	[sflag:s22] =	ssyncadd.s32 s3;
	_ =	sdelay $0x1  }
0xa1: {  	s23 =	simm.s32 $0x1B8B  }
0xa2: {  	_ =	swait.ge [sflag:s23], $0x1  }
0xa3: {  	[sflag:s23] =	ssyncset.done $0x0  }
0xa4: {  	s25 =	simm.s32 $0x1B8E;
	s24 =	sld [smem:$0x3FFE];
	[sflag:s23] =	ssyncadd.s32 $0xFFFFFFFF  }
0xa5: {  	s26 =	simm.s32 $execute0_lowered;
	[smem:$0x3FD2] =	sst s25  }
0xa6: {  	s4 =	sshll.u32 s26, $0x1;
	_ =	strace $0x80000046;
	[dreg:$0x1] =	wrdreg $0xFFFFFFFF  }
0xa7: {  	s28 =	simm.s32 $_size_execute0_lowered;
	s2 =	sadd.s32 s2, s4;
	[dreg:$0x0] =	wrdreg $0x0  }
0xa8: {  	s4 =	sshll.u32 s28, $0x1;
	[dreg:$0x2] =	wrdreg s2  }
0xa9: {  	[dreg:$0x3] =	wrdreg s4  }
0xaa: {  	[dreg:$0x4] =	wrdreg $0xC0  }
0xab: {  	_ =	task [dreg:s6], $0x5FFFF  }
0xac: {  	[dreg:$0x1] =	wrdreg $0xFFFFFFFF  }
0xad: {  	[dreg:$0x0] =	wrdreg $0x60  }
0xae: {  	[dreg:$0x2] =	wrdreg s24  }
0xaf: {  	[dreg:$0x3] =	wrdreg $0x9  }
0xb0: {  	_ =	task.clear_ibuf [dreg:s6], $0x4FFFF;
	_ =	strace $0x90000046  }
0xb1: {  	s29 =	simm.s32 $0x9;
	_ =	strace $0x80000048  }
0xb2: {  	_ =	swait.ge [sflag:s29], $0x1  }
0xb3: {  	[sflag:s29] =	ssyncadd.s32 $0xFFFFFFFF  }
0xb4: {  	_ =	strace $0x90000048  }
0xb5: {  	_ =	sfence  }
0xb6: {  	s30 =	sld [smem:$0x0];
	_ =	sdelay $0x2  }
0xb7: {  	s31 =	sshll.u32 s1, $0xD;
	s1 =	sshrl.u32 s1, $0x2  }
0xb8: {  	s3 =	sand.u32 $0x4000, s31;
	s1 =	sadd.s32 s1, s30  }
0xb9: {  	s0 =	sor.u32 s3, s0;
	s1 =	sshll.u32 s1, $0x11  }
0xba: {  	s0 =	sor.u32 s1, s0  }
0xbb: {  	s0 =	sadd.s32 $0x8F2B, s0  }
0xbc: {  	[sflag:s0] =	ssyncadd.remote.s32 $0x1  }
0xbd: {  	_ =	sfence.sel $0xFFFF  }
0xbe: {  	[dreg:$0x0] =	wrdreg $0xFFFFFFFF;
	(pc) =	sbr.abs _section_cstart, $3  }
0xbf: {  	[dreg:$0x1] =	wrdreg $0xFFFFFFFF  }
0xc0: {  	_ =	task.clear_ibuf [dreg:s6], $0x2FFFF;
	_ =	strace $0x9FFFFFFF  }
0xc1: {  	(tm) =	ssettm $0x7FFFFFFF  }
tec
execute0_lowered:
.L_overlay_start_1:
0x0: {  	(tag) =	ssettag $0x1  }
0x1: {  	s1 =	srdreg.scid;
	s0 =	stileid.u32  }
0x2: {  	s20 =	sand.u32 $0x1, s1;
	s30 =	sshll.u32 s0, $0x1  }
0x3: {  	s1 =	sor.u32 s20, s30  }
0x4: {  	s3 =	smul.u32 $0xFA00, s1  }
0x5: {  	s12 =	rddreg [dreg:$0x0];
	s2 =	simm.s32 $0x0;
	s4 =	simm.s32 $0x1  }
0x6: {  	[smem:$0x7FF] =	sst s2;
	s17 =	sadd.s32 $0x3F600, s12;
	s18 =	sshrl.u32 s3, $0x3  }
0x7: {  	s1 =	rddreg [dreg:$0x1];
	_ =	strace $0x80000047;
	s3 =	sadd.s32 s17, s18  }
0x8: {  	[tilespmem:s2], [sflag:$0x1] =	stream.linear.gather [hbm4b:s3+s2], $0x3E80, $0x38;
	[tilespmem:$0xFA00] =	vst v63  }
0x9: {  	_ =	swait.ge [sflag:s4], $0x3E80  }
0xa: {  	s6 =	simm.s32 $0x3E80;
	s7 =	simm.s32 $0x7D00;
	[sflag:s4] =	ssyncset.done $0x0  }
0xb: {  	s5 =	sadd.s32 $0x7DE00, s12;
	s16 =	sadd.s32 $0x7D0, s18;
	[sflag:s4] =	ssyncadd.s32 $0xFFFFC180  }
0xc: {  	[tilespmem:s7], [sflag:$0x3] =	stream.indirect.gather [hbm4b:s5+s6], $0x1, s2, s6, $0xb8;
	[tilespmem:$0xFA00] =	vst v63  }
0xd: {  	s9 =	simm.s32 $0x2;
	s8 =	sadd.s32 s17, s16  }
0xe: {  	[tilespmem:s6], [sflag:$0x2] =	stream.linear.gather [hbm4b:s8+s2], $0x3E80, $0x38;
	[tilespmem:$0xFA00] =	vst v63  }
0xf: {  	_ =	swait.ge [sflag:s9], $0x3E80  }
0x10: {  	[sflag:s9] =	ssyncset.done $0x0  }
0x11: {  	s10 =	simm.s32 $0xBB80;
	s11 =	simm.s32 $0x3;
	[sflag:s9] =	ssyncadd.s32 $0xFFFFC180  }
0x12: {  	[tilespmem:s10], [sflag:$0x4] =	stream.indirect.gather [hbm4b:s5+s6], $0x1, s6, s6, $0xb8;
	[tilespmem:$0xFA00] =	vst v63  }
0x13: {  	_ =	swait.ge [sflag:s11], $0x3E80  }
0x14: {  	s21 =	sadd.s32 $0x6BDE00, s12;
	[sflag:s11] =	ssyncset.done $0x0  }
0x15: {  	s12 =	sadd.s32 s21, s18;
	s19 =	sadd.s32 $0xFA0, s18;
	[sflag:s11] =	ssyncadd.s32 $0xFFFFC180  }
0x16: {  	[hbm4b:s12+s2] =	stream.linear.scatter [tilespmem:s7], [sflag:$0x5], $0x3E80, $0x38;
	[tilespmem:$0xFA00] =	vst v63  }
0x17: {  	s13 =	sadd.s32 s17, s19  }
0x18: {  	[tilespmem:s2], [sflag:$0x1] =	stream.linear.gather [hbm4b:s13+s2], $0x3E80, $0x38;
	[tilespmem:$0xFA00] =	vst v63  }
0x19: {  	_ =	swait.ge [sflag:s4], $0x3E80  }
0x1a: {  	[sflag:s4] =	ssyncset.done $0x0  }
0x1b: {  	s14 =	simm.s32 $0x5;
	[sflag:s4] =	ssyncadd.s32 $0xFFFFC180  }
0x1c: {  	_ =	swait.ge [sflag:s14], $0x3E80  }
0x1d: {  	[sflag:s14] =	ssyncset.done $0x0  }
0x1e: {  	s15 =	simm.s32 $0x4;
	[sflag:s14] =	ssyncadd.s32 $0xFFFFC180  }
0x1f: {  	[tilespmem:s7], [sflag:$0x3] =	stream.indirect.gather [hbm4b:s5+s6], $0x1, s2, s6, $0xb8;
	[tilespmem:$0xFA00] =	vst v63  }
0x20: {  	_ =	swait.ge [sflag:s15], $0x3E80  }
0x21: {  	[sflag:s15] =	ssyncset.done $0x0  }
0x22: {  	s22 =	sadd.s32 $0x1770, s18;
	s16 =	sadd.s32 s21, s16;
	[sflag:s15] =	ssyncadd.s32 $0xFFFFC180  }
0x23: {  	[hbm4b:s16+s2] =	stream.linear.scatter [tilespmem:s10], [sflag:$0x6], $0x3E80, $0x38;
	[tilespmem:$0xFA00] =	vst v63  }
0x24: {  	s17 =	sadd.s32 s17, s22  }
0x25: {  	[tilespmem:s6], [sflag:$0x2] =	stream.linear.gather [hbm4b:s17+s2], $0x3E80, $0x38;
	[tilespmem:$0xFA00] =	vst v63  }
0x26: {  	_ =	swait.ge [sflag:s9], $0x3E80  }
0x27: {  	[sflag:s9] =	ssyncset.done $0x0  }
0x28: {  	s18 =	simm.s32 $0x6;
	[sflag:s9] =	ssyncadd.s32 $0xFFFFC180  }
0x29: {  	_ =	swait.ge [sflag:s18], $0x3E80  }
0x2a: {  	[sflag:s18] =	ssyncset.done $0x0  }
0x2b: {  	[sflag:s18] =	ssyncadd.s32 $0xFFFFC180  }
0x2c: {  	[tilespmem:s10], [sflag:$0x4] =	stream.indirect.gather [hbm4b:s5+s6], $0x1, s6, s6, $0xb8;
	[tilespmem:$0xFA00] =	vst v63  }
0x2d: {  	_ =	swait.ge [sflag:s11], $0x3E80  }
0x2e: {  	s23 =	ssub.s32 $0x2, s20;
	[sflag:s11] =	ssyncset.done $0x0  }
0x2f: {  	s31 =	sshrl.u32 s23, $0x1;
	s19 =	sadd.s32 s21, s19;
	[sflag:s11] =	ssyncadd.s32 $0xFFFFC180  }
0x30: {  	[hbm4b:s19+s2] =	stream.linear.scatter [tilespmem:s7], [sflag:$0x5], $0x3E80, $0x38;
	[tilespmem:$0xFA00] =	vst v63  }
0x31: {  	s20 =	sadd.s32 s21, s22;
	s21 =	ssub.s32 s23, s31;
	_ =	swait.ge [sflag:s15], $0x3E80  }
0x32: {  	s21 =	smax.u32 s21, $0x1;
	[sflag:s15] =	ssyncset.done $0x0  }
0x33: {  	p0 =	sne.s32 s21, $0x1;
	[sflag:s15] =	ssyncadd.s32 $0xFFFFC180  }
0x34: {  	[hbm4b:s20+s2] =	stream.linear.scatter [tilespmem:s10], [sflag:$0x6], $0x3E80, $0x38;
	[tilespmem:$0xFA00] =	vst v63  }
.Ltmp0:
0x35: {  	_ =	swait.ge [sflag:s18], $0x3E80;
	(pc) =	sbr.rel @!p0 .LBB2_2-.Ltmp0, $4  }
0x36: {  	[sflag:s18] =	ssyncset.done $0x0  }
0x37: {  	[sflag:s18] =	ssyncadd.s32 $0xFFFFC180  }
0x38: {  	_ =	swait.ge [sflag:s14], $0x3E80  }
0x39: {  	s21 =	sadd.s32 $0xFFFFFFFF, s21;
	[sflag:s14] =	ssyncset.done $0x0  }
.LBB2_1:
0x3a: {  	p0 =	sne.s32 s21, $0x1;
	s21 =	sadd.s32 $0xFFFFFFFF, s21;
	[sflag:s14] =	ssyncadd.s32 $0xFFFFC180  }
0x3b: {  	[tilespmem:s2], [sflag:$0x1] =	stream.linear.gather [hbm4b:s3+s2], $0x3E80, $0x38;
	[tilespmem:$0xFA00] =	vst v63  }
0x3c: {  	_ =	swait.ge [sflag:s4], $0x3E80  }
0x3d: {  	[sflag:s4] =	ssyncset.done $0x0  }
0x3e: {  	[sflag:s4] =	ssyncadd.s32 $0xFFFFC180  }
0x3f: {  	[tilespmem:s7], [sflag:$0x3] =	stream.indirect.gather [hbm4b:s5+s6], $0x1, s2, s6, $0xb8;
	[tilespmem:$0xFA00] =	vst v63  }
0x40: {  	_ = 	snop  }
0x41: {  	[tilespmem:s6], [sflag:$0x2] =	stream.linear.gather [hbm4b:s8+s2], $0x3E80, $0x38;
	[tilespmem:$0xFA00] =	vst v63  }
0x42: {  	_ =	swait.ge [sflag:s9], $0x3E80  }
0x43: {  	[sflag:s9] =	ssyncset.done $0x0  }
0x44: {  	[sflag:s9] =	ssyncadd.s32 $0xFFFFC180  }
0x45: {  	[tilespmem:s10], [sflag:$0x4] =	stream.indirect.gather [hbm4b:s5+s6], $0x1, s6, s6, $0xb8;
	[tilespmem:$0xFA00] =	vst v63  }
0x46: {  	_ =	swait.ge [sflag:s11], $0x3E80  }
0x47: {  	[sflag:s11] =	ssyncset.done $0x0  }
0x48: {  	[sflag:s11] =	ssyncadd.s32 $0xFFFFC180  }
0x49: {  	[hbm4b:s12+s2] =	stream.linear.scatter [tilespmem:s7], [sflag:$0x5], $0x3E80, $0x38;
	[tilespmem:$0xFA00] =	vst v63  }
0x4a: {  	_ = 	snop  }
0x4b: {  	[tilespmem:s2], [sflag:$0x1] =	stream.linear.gather [hbm4b:s13+s2], $0x3E80, $0x38;
	[tilespmem:$0xFA00] =	vst v63  }
0x4c: {  	_ =	swait.ge [sflag:s4], $0x3E80  }
0x4d: {  	[sflag:s4] =	ssyncset.done $0x0  }
0x4e: {  	[sflag:s4] =	ssyncadd.s32 $0xFFFFC180  }
0x4f: {  	_ =	swait.ge [sflag:s14], $0x3E80  }
0x50: {  	[sflag:s14] =	ssyncset.done $0x0  }
0x51: {  	[sflag:s14] =	ssyncadd.s32 $0xFFFFC180  }
0x52: {  	[tilespmem:s7], [sflag:$0x3] =	stream.indirect.gather [hbm4b:s5+s6], $0x1, s2, s6, $0xb8;
	[tilespmem:$0xFA00] =	vst v63  }
0x53: {  	_ =	swait.ge [sflag:s15], $0x3E80  }
0x54: {  	[sflag:s15] =	ssyncset.done $0x0  }
0x55: {  	[sflag:s15] =	ssyncadd.s32 $0xFFFFC180  }
0x56: {  	[hbm4b:s16+s2] =	stream.linear.scatter [tilespmem:s10], [sflag:$0x6], $0x3E80, $0x38;
	[tilespmem:$0xFA00] =	vst v63  }
0x57: {  	_ = 	snop  }
0x58: {  	[tilespmem:s6], [sflag:$0x2] =	stream.linear.gather [hbm4b:s17+s2], $0x3E80, $0x38;
	[tilespmem:$0xFA00] =	vst v63  }
0x59: {  	_ =	swait.ge [sflag:s9], $0x3E80  }
0x5a: {  	[sflag:s9] =	ssyncset.done $0x0  }
0x5b: {  	[sflag:s9] =	ssyncadd.s32 $0xFFFFC180  }
0x5c: {  	_ =	swait.ge [sflag:s18], $0x3E80  }
0x5d: {  	[sflag:s18] =	ssyncset.done $0x0  }
0x5e: {  	[sflag:s18] =	ssyncadd.s32 $0xFFFFC180  }
0x5f: {  	[tilespmem:s10], [sflag:$0x4] =	stream.indirect.gather [hbm4b:s5+s6], $0x1, s6, s6, $0xb8;
	[tilespmem:$0xFA00] =	vst v63  }
0x60: {  	_ =	swait.ge [sflag:s11], $0x3E80  }
0x61: {  	[sflag:s11] =	ssyncset.done $0x0  }
0x62: {  	[sflag:s11] =	ssyncadd.s32 $0xFFFFC180  }
0x63: {  	[hbm4b:s19+s2] =	stream.linear.scatter [tilespmem:s7], [sflag:$0x5], $0x3E80, $0x38;
	[tilespmem:$0xFA00] =	vst v63  }
0x64: {  	_ =	swait.ge [sflag:s15], $0x3E80  }
0x65: {  	[sflag:s15] =	ssyncset.done $0x0  }
0x66: {  	[sflag:s15] =	ssyncadd.s32 $0xFFFFC180  }
0x67: {  	[hbm4b:s20+s2] =	stream.linear.scatter [tilespmem:s10], [sflag:$0x6], $0x3E80, $0x38;
	[tilespmem:$0xFA00] =	vst v63  }
.Ltmp1:
0x68: {  	_ =	swait.ge [sflag:s18], $0x3E80;
	(pc) =	sbr.rel @p0 .LBB2_1-.Ltmp1, $4  }
0x69: {  	[sflag:s18] =	ssyncset.done $0x0  }
0x6a: {  	[sflag:s18] =	ssyncadd.s32 $0xFFFFC180  }
0x6b: {  	_ =	swait.ge [sflag:s14], $0x3E80  }
0x6c: {  	[sflag:s14] =	ssyncset.done $0x0  }
.LBB2_2:
0x6d: {  	[sflag:s14] =	ssyncadd.s32 $0xFFFFC180  }
0x6e: {  	_ =	sfence.sel $0x180000  }
0x6f: {  	[bflag:$0x0] =	sbarrier.arrive $0xFFFF  }
0x70: {  	p0 =	sne.s32 s0, $0x0;
	_ =	strace $0x90000047  }
0x71: {  	s0 =	sadd.s32 @!p0 $0x100000, s1;
	[bflag:$0x2] =	sbarrier.arrive $0xFFFF  }
0x72: {  	[sflag:s0] =	ssyncadd.tile.s32 @!p0 $0x1;
	_ =	shalt  }
.Lfunc_end2:
_tile_overlayer_lowered:
.L_overlay_start_2:
0x73: {  	(tag) =	ssettag $0x2  }
0x74: {  	s0 =	rddreg [dreg:$0x0];
	s2 =	stileid.u32  }
0x75: {  	s1 =	rddreg [dreg:$0x1];
	p0 =	sne.s32 s2, $0x0  }
0x76: {  	s3 =	rddreg [dreg:$0x2];
	[bflag:$0x3] =	sbarrier.arrive $0xFFFF;
	s2 =	simm.s32 @!p0 $0x1C07  }
0x77: {  	[timem:s3], [sflag:s2] =	dma.local @!p0 [hbm:s0], s1  }
0x78: {  	s0 =	simm.s32 @!p0 $0x7  }
0x79: {  	_ =	swait.ge @!p0 [sflag:s0], s1  }
0x7a: {  	s1 =	ssub.s32 @!p0 $0x0, s1;
	[sflag:s0] =	ssyncset.done @!p0 $0x0  }
0x7b: {  	[sflag:s0] =	ssyncadd.s32 @!p0 s1  }
0x7c: {  	[bflag:$0x3] =	sbarrier.arrive $0xFFFF  }
0x7d: {  	_ =	shalt  }

</sc_bundles>
